<compile_context>
chip_gen: v7x
topology: tpu7x:2x2x1
jax: 0.10.2.dev20260603
libtpu: 0.0.44.dev20260713+nightly
codegen_flags: <defaults>
</compile_context>

<pallas_src>
import functools

import jax
import jax.numpy as jnp
from jax import lax
from jax.experimental import pallas as pl
from jax.experimental.pallas import tpu as pltpu
from jax.experimental.pallas import tpu_sc as plsc

_NBASIS = 1_000_000
_NUNIQUE = 25_000
_STRIDE = 31_248
_CHUNK = 31_312
_SIZES = (15664, 15648)
_OFFS = (0, 15664)


def _sc_gather(step16, hmf, kinvidx):
    mesh = plsc.VectorSubcoreMesh(core_axis_name="c", subcore_axis_name="s")

    @functools.partial(
        pl.kernel,
        out_type=jax.ShapeDtypeStruct((_NBASIS,), jnp.float32),
        mesh=mesh,
        compiler_params=pltpu.CompilerParams(needs_layout_passes=False),
        scratch_types=[
            pltpu.VMEM((16,), jnp.float32),
            pltpu.VMEM((_NUNIQUE,), jnp.float32),
            pltpu.VMEM((_CHUNK,), jnp.int32),
            pltpu.VMEM((_CHUNK,), jnp.float32),
            pltpu.MemorySpace.VMEM_SHARED((_NUNIQUE,), jnp.float32),
            pltpu.SemaphoreType.DMA,
            pltpu.SemaphoreType.DMA,
            pltpu.SemaphoreType.DMA,
        ] + [pltpu.SemaphoreType.DMA] * 2,
    )
    def k(step_hbm, hmf_hbm, idx_hbm, out_hbm,
          step_v, table_v, idx_v, out_v, table_sp,
          sem_t, sem_s, sem_o, *sem_i):
        sid = lax.axis_index("s")
        wid = sid * 2 + lax.axis_index("c")
        base = wid * _STRIDE

        cp_i = [
            pltpu.async_copy(
                idx_hbm.at[pl.ds(base + _OFFS[j], _SIZES[j])],
                idx_v.at[pl.ds(_OFFS[j], _SIZES[j])],
                sem_i[j],
            )
            for j in range(2)
        ]
        cp_s = pltpu.async_copy(step_hbm, step_v, sem_s)

        @pl.when(sid == 0)
        def _():
            pltpu.sync_copy(hmf_hbm, table_sp)

        plsc.subcore_barrier()
        cp_t = pltpu.async_copy(table_sp, table_v, sem_t)
        cp_s.wait()
        step_vec = step_v[...]
        cp_t.wait()

        cp_o = []
        for j in range(2):
            cp_i[j].wait()

            @plsc.parallel_loop(_OFFS[j], _OFFS[j] + _SIZES[j], 16, unroll=8)
            def body(off):
                idx16 = idx_v[pl.ds(off, 16)]
                vals = plsc.load_gather(table_v, [idx16])
                out_v[pl.ds(off, 16)] = vals * step_vec

            cp_o.append(
                pltpu.async_copy(
                    out_v.at[pl.ds(_OFFS[j], _SIZES[j])],
                    out_hbm.at[pl.ds(base + _OFFS[j], _SIZES[j])],
                    sem_o,
                )
            )
        for cp in cp_o:
            cp.wait()

    return k(step16, hmf, kinvidx)


def kernel(step, hmf, kinvidx):
    step16 = jnp.full((16,), step, dtype=jnp.float32)
    idx = kinvidx.astype(jnp.int32)
    return _sc_gather(step16, hmf, idx)

# --- scband reference (transcript-rebuilt; emitter-appended) ---
"""Pipeline reference for scband-one-body-pw-3427383902820 (READ-ONLY COPY).

The authoritative reference and input builder live on the scoring server;
editing this copy changes nothing except your own understanding.
"""

import jax, jax.numpy as jnp
import numpy as np

NBASIS = 1000000   # number of plane-wave basis functions (init_hmf.shape[-1])
NUNIQUE = 25000    # number of unique k-shell energies after k-symmetry reduction


def setup_inputs(seed: int = 0) -> dict:
    key = jax.random.key(seed)
    k1, k2, k3 = jax.random.split(key, 3)
    # Learned parameter: unique values of init_hmf (what jnp.unique would return).
    hmf = jax.random.normal(k1, (NUNIQUE,), dtype=jnp.float32)
    # Inverse index from jnp.unique(init_hmf, return_inverse=True): maps each of the
    # NBASIS plane waves to its unique k-shell energy. Integer constant.
    kinvidx = jax.random.randint(k2, (NBASIS,), 0, NUNIQUE, dtype=jnp.int64)
    # Propagator time step (scalar multiplier passed to __call__).
    step = jax.random.uniform(k3, (), dtype=jnp.float32)
    return {"step": step, "hmf": hmf, "kinvidx": kinvidx}


def reference(step, hmf, kinvidx):
    # Faithful translation of OneBodyPW.__call__ with parametrize=True, k_symmetric=True:
    #   hmf = self.hmf                        (unique-value parameter table)
    #   hmf = hmf[self.kinvidx]               (embedding-style gather back to full basis)
    #   hmf = cmult(step, hmf)                (scale by time step)
    hmf_full = jnp.take(hmf, kinvidx, axis=0)
    return step * hmf_full

if __name__ == "__main__":
    import jax
    _d = setup_inputs()
    print(jax.jit(kernel)(*tuple(_d.values())))

</pallas_src>

<mosaic_0001>
#map = affine_map<(d0, d1) -> (0)>
module attributes {stable_mosaic.version = 14 : i64} {
  func.func @k(%arg0: i32, %arg1: i32, %arg2: memref<16xf32, #tpu.memory_space<hbm>>, %arg3: memref<25000xf32, #tpu.memory_space<hbm>>, %arg4: memref<1000000xi32, #tpu.memory_space<hbm>>, %arg5: memref<1000000xf32, #tpu.memory_space<hbm>>, %arg6: memref<16xf32, #tpu.memory_space<vmem>>, %arg7: memref<25000xf32, #tpu.memory_space<vmem>>, %arg8: memref<31312xi32, #tpu.memory_space<vmem>>, %arg9: memref<31312xf32, #tpu.memory_space<vmem>>, %arg10: memref<25000xf32, #tpu.memory_space<vmem_shared>>, %arg11: memref<!tpu.dma_semaphore, #tpu.memory_space<semaphore_mem>>, %arg12: memref<!tpu.dma_semaphore, #tpu.memory_space<semaphore_mem>>, %arg13: memref<!tpu.dma_semaphore, #tpu.memory_space<semaphore_mem>>, %arg14: memref<!tpu.dma_semaphore, #tpu.memory_space<semaphore_mem>>, %arg15: memref<!tpu.dma_semaphore, #tpu.memory_space<semaphore_mem>>) attributes {dimension_semantics = [#tpu.dimension_semantics<core_parallel>, #tpu.dimension_semantics<subcore_parallel>], iteration_bounds = array<i64: 2, 16>, scalar_prefetch = 0 : i64, scratch_operands = 10 : i64, tpu.core_type = #tpu.core_type<sc_vector_subcore>, window_params = [{transform_indices = #map}, {transform_indices = #map}, {transform_indices = #map}, {transform_indices = #map}]} {
    %mul3A = arith.constant 2 : i32
    %mul3A_0 = arith.muli %arg1, %mul3A : i32
    %add3A = arith.addi %mul3A_0, %arg0 : i32
    %mul3A_1 = arith.constant 31248 : i32
    %mul3A_2 = arith.muli %add3A, %mul3A_1 : i32
    %add3A_3 = arith.constant 0 : i32
    %add3A_4 = arith.addi %mul3A_2, %add3A_3 : i32
    %dma_start3A = arith.constant 0 : i32
    %dma_start3A_5 = tpu.memref_slice %arg8[%dma_start3A] : memref<31312xi32, #tpu.memory_space<vmem>> -> memref<15664xi32, #tpu.memory_space<vmem>>
    %dma_start3A_6 = tpu.memref_slice %arg4[%add3A_4] : memref<1000000xi32, #tpu.memory_space<hbm>> -> memref<15664xi32, #tpu.memory_space<hbm>>
    %dma_start3A_7 = arith.constant 0 : i32
    %dma_start3A_8 = tpu.memref_slice %arg8[%dma_start3A_7] : memref<31312xi32, #tpu.memory_space<vmem>> -> memref<15664xi32, #tpu.memory_space<vmem>>
    %dma_start3A_9 = tpu.memref_slice %arg4[%add3A_4] : memref<1000000xi32, #tpu.memory_space<hbm>> -> memref<15664xi32, #tpu.memory_space<hbm>>
    tpu.enqueue_dma source(%dma_start3A_9 : memref<15664xi32, #tpu.memory_space<hbm>>) target(%dma_start3A_8 : memref<15664xi32, #tpu.memory_space<vmem>>) target_semaphore(%arg14 : memref<!tpu.dma_semaphore, #tpu.memory_space<semaphore_mem>>)
    %add3A_10 = arith.constant 15664 : i32
    %add3A_11 = arith.addi %mul3A_2, %add3A_10 : i32
    %dma_start3A_12 = arith.constant 15664 : i32
    %dma_start3A_13 = tpu.memref_slice %arg8[%dma_start3A_12] : memref<31312xi32, #tpu.memory_space<vmem>> -> memref<15648xi32, #tpu.memory_space<vmem>>
    %dma_start3A_14 = tpu.memref_slice %arg4[%add3A_11] : memref<1000000xi32, #tpu.memory_space<hbm>> -> memref<15648xi32, #tpu.memory_space<hbm>>
    %dma_start3A_15 = arith.constant 15664 : i32
    %dma_start3A_16 = tpu.memref_slice %arg8[%dma_start3A_15] : memref<31312xi32, #tpu.memory_space<vmem>> -> memref<15648xi32, #tpu.memory_space<vmem>>
    %dma_start3A_17 = tpu.memref_slice %arg4[%add3A_11] : memref<1000000xi32, #tpu.memory_space<hbm>> -> memref<15648xi32, #tpu.memory_space<hbm>>
    tpu.enqueue_dma source(%dma_start3A_17 : memref<15648xi32, #tpu.memory_space<hbm>>) target(%dma_start3A_16 : memref<15648xi32, #tpu.memory_space<vmem>>) target_semaphore(%arg15 : memref<!tpu.dma_semaphore, #tpu.memory_space<semaphore_mem>>)
    tpu.enqueue_dma source(%arg2 : memref<16xf32, #tpu.memory_space<hbm>>) target(%arg6 : memref<16xf32, #tpu.memory_space<vmem>>) target_semaphore(%arg12 : memref<!tpu.dma_semaphore, #tpu.memory_space<semaphore_mem>>)
    %eq3A = arith.constant 0 : i32
    %eq3A_18 = arith.cmpi eq, %arg1, %eq3A : i32
    %convert_element_type3A = arith.extui %eq3A_18 : i1 to i32
    %cond3A = arith.constant 0 : i32
    %cond3A_19 = arith.cmpi ne, %convert_element_type3A, %cond3A : i32
    scf.if %cond3A_19 {
      "tpu.region"() ({
        %run_scoped3A = tpu.sem_alloc : memref<!tpu.dma_semaphore, #tpu.memory_space<semaphore_mem>>
        tpu.enqueue_dma source(%arg3 : memref<25000xf32, #tpu.memory_space<hbm>>) target(%arg10 : memref<25000xf32, #tpu.memory_space<vmem_shared>>) target_semaphore(%run_scoped3A : memref<!tpu.dma_semaphore, #tpu.memory_space<semaphore_mem>>)
        tpu.wait_dma2 semaphore(%run_scoped3A : memref<!tpu.dma_semaphore, #tpu.memory_space<semaphore_mem>>) src(%arg3 : memref<25000xf32, #tpu.memory_space<hbm>>) dst(%arg10 : memref<25000xf32, #tpu.memory_space<vmem_shared>>)
        tpu.yield
      }) : () -> ()
    } else {
    }
    %barrier3A = arith.constant 0 : index
    tpu.barrier barrier_id(%barrier3A)
    tpu.enqueue_dma source(%arg10 : memref<25000xf32, #tpu.memory_space<vmem_shared>>) target(%arg7 : memref<25000xf32, #tpu.memory_space<vmem>>) target_semaphore(%arg11 : memref<!tpu.dma_semaphore, #tpu.memory_space<semaphore_mem>>)
    tpu.wait_dma2 semaphore(%arg12 : memref<!tpu.dma_semaphore, #tpu.memory_space<semaphore_mem>>) src(%arg2 : memref<16xf32, #tpu.memory_space<hbm>>) dst(%arg6 : memref<16xf32, #tpu.memory_space<vmem>>)
    %get3A = arith.constant 0 : index
    %get3A_20 = tpu.vector_load %arg6[%get3A] {strides = array<i32>} : memref<16xf32, #tpu.memory_space<vmem>>, vector<16xf32>,
    tpu.wait_dma2 semaphore(%arg11 : memref<!tpu.dma_semaphore, #tpu.memory_space<semaphore_mem>>) src(%arg10 : memref<25000xf32, #tpu.memory_space<vmem_shared>>) dst(%arg7 : memref<25000xf32, #tpu.memory_space<vmem>>)
    %dma_wait3A = arith.constant 0 : i32
    %dma_wait3A_21 = tpu.memref_slice %arg8[%dma_wait3A] : memref<31312xi32, #tpu.memory_space<vmem>> -> memref<15664xi32, #tpu.memory_space<vmem>>
    %dma_wait3A_22 = tpu.memref_slice %arg4[%add3A_4] : memref<1000000xi32, #tpu.memory_space<hbm>> -> memref<15664xi32, #tpu.memory_space<hbm>>
    %dma_wait3A_23 = arith.constant 0 : i32
    %dma_wait3A_24 = tpu.memref_slice %arg8[%dma_wait3A_23] : memref<31312xi32, #tpu.memory_space<vmem>> -> memref<15664xi32, #tpu.memory_space<vmem>>
    %dma_wait3A_25 = tpu.memref_slice %arg4[%add3A_4] : memref<1000000xi32, #tpu.memory_space<hbm>> -> memref<15664xi32, #tpu.memory_space<hbm>>
    tpu.wait_dma2 semaphore(%arg14 : memref<!tpu.dma_semaphore, #tpu.memory_space<semaphore_mem>>) src(%dma_wait3A_25 : memref<15664xi32, #tpu.memory_space<hbm>>) dst(%dma_wait3A_24 : memref<15664xi32, #tpu.memory_space<vmem>>)
    %parallel_loop3A = arith.constant 0 : i32
    %parallel_loop3A_26 = arith.constant 15664 : i32
    %parallel_loop3A_27 = arith.constant 16 : i32
    scf.for %parallel_loop3A_65 = %parallel_loop3A to %parallel_loop3A_26 step %parallel_loop3A_27  : i32 {
      %parallel_loop3A_66 = arith.index_cast %parallel_loop3A_65 : i32 to index
      %parallel_loop3A_67 = tpu.vector_load %arg8[%parallel_loop3A_66] {strides = array<i32>} : memref<31312xi32, #tpu.memory_space<vmem>>, vector<16xi32>,
      %parallel_loop3A_68 = tpu.vector_load_idx %arg7[%parallel_loop3A_67] : memref<25000xf32, #tpu.memory_space<vmem>>[vector<16xi32>], vector<16xf32>,
      %parallel_loop3A_69 = arith.mulf %parallel_loop3A_68, %get3A_20 : vector<16xf32>
      %parallel_loop3A_70 = arith.index_cast %parallel_loop3A_65 : i32 to index
      %parallel_loop3A_71 = tpu.vector_load %arg9[%parallel_loop3A_70] {strides = array<i32>} : memref<31312xf32, #tpu.memory_space<vmem>>, vector<16xf32>,
      tpu.vector_store %arg9[%parallel_loop3A_70], %parallel_loop3A_69 {strides = array<i32>} : memref<31312xf32, #tpu.memory_space<vmem>>, vector<16xf32>,
    } {sc.loop_unroll_factor = 8 : i64, sc.parallel_access}
    %add3A_28 = arith.constant 0 : i32
    %add3A_29 = arith.addi %mul3A_2, %add3A_28 : i32
    %dma_start3A_30 = arith.constant 0 : i32
    %dma_start3A_31 = tpu.memref_slice %arg9[%dma_start3A_30] : memref<31312xf32, #tpu.memory_space<vmem>> -> memref<15664xf32, #tpu.memory_space<vmem>>
    %dma_start3A_32 = tpu.memref_slice %arg5[%add3A_29] : memref<1000000xf32, #tpu.memory_space<hbm>> -> memref<15664xf32, #tpu.memory_space<hbm>>
    %dma_start3A_33 = tpu.memref_slice %arg5[%add3A_29] : memref<1000000xf32, #tpu.memory_space<hbm>> -> memref<15664xf32, #tpu.memory_space<hbm>>
    %dma_start3A_34 = arith.constant 0 : i32
    %dma_start3A_35 = tpu.memref_slice %arg9[%dma_start3A_34] : memref<31312xf32, #tpu.memory_space<vmem>> -> memref<15664xf32, #tpu.memory_space<vmem>>
    tpu.enqueue_dma source(%dma_start3A_35 : memref<15664xf32, #tpu.memory_space<vmem>>) target(%dma_start3A_33 : memref<15664xf32, #tpu.memory_space<hbm>>) target_semaphore(%arg13 : memref<!tpu.dma_semaphore, #tpu.memory_space<semaphore_mem>>)
    %dma_wait3A_36 = arith.constant 15664 : i32
    %dma_wait3A_37 = tpu.memref_slice %arg8[%dma_wait3A_36] : memref<31312xi32, #tpu.memory_space<vmem>> -> memref<15648xi32, #tpu.memory_space<vmem>>
    %dma_wait3A_38 = tpu.memref_slice %arg4[%add3A_11] : memref<1000000xi32, #tpu.memory_space<hbm>> -> memref<15648xi32, #tpu.memory_space<hbm>>
    %dma_wait3A_39 = arith.constant 15664 : i32
    %dma_wait3A_40 = tpu.memref_slice %arg8[%dma_wait3A_39] : memref<31312xi32, #tpu.memory_space<vmem>> -> memref<15648xi32, #tpu.memory_space<vmem>>
    %dma_wait3A_41 = tpu.memref_slice %arg4[%add3A_11] : memref<1000000xi32, #tpu.memory_space<hbm>> -> memref<15648xi32, #tpu.memory_space<hbm>>
    tpu.wait_dma2 semaphore(%arg15 : memref<!tpu.dma_semaphore, #tpu.memory_space<semaphore_mem>>) src(%dma_wait3A_41 : memref<15648xi32, #tpu.memory_space<hbm>>) dst(%dma_wait3A_40 : memref<15648xi32, #tpu.memory_space<vmem>>)
    %parallel_loop3A_42 = arith.constant 15664 : i32
    %parallel_loop3A_43 = arith.constant 31312 : i32
    %parallel_loop3A_44 = arith.constant 16 : i32
    scf.for %parallel_loop3A_65 = %parallel_loop3A_42 to %parallel_loop3A_43 step %parallel_loop3A_44  : i32 {
      %parallel_loop3A_66 = arith.index_cast %parallel_loop3A_65 : i32 to index
      %parallel_loop3A_67 = tpu.vector_load %arg8[%parallel_loop3A_66] {strides = array<i32>} : memref<31312xi32, #tpu.memory_space<vmem>>, vector<16xi32>,
      %parallel_loop3A_68 = tpu.vector_load_idx %arg7[%parallel_loop3A_67] : memref<25000xf32, #tpu.memory_space<vmem>>[vector<16xi32>], vector<16xf32>,
      %parallel_loop3A_69 = arith.mulf %parallel_loop3A_68, %get3A_20 : vector<16xf32>
      %parallel_loop3A_70 = arith.index_cast %parallel_loop3A_65 : i32 to index
      %parallel_loop3A_71 = tpu.vector_load %arg9[%parallel_loop3A_70] {strides = array<i32>} : memref<31312xf32, #tpu.memory_space<vmem>>, vector<16xf32>,
      tpu.vector_store %arg9[%parallel_loop3A_70], %parallel_loop3A_69 {strides = array<i32>} : memref<31312xf32, #tpu.memory_space<vmem>>, vector<16xf32>,
    } {sc.loop_unroll_factor = 8 : i64, sc.parallel_access}
    %add3A_45 = arith.constant 15664 : i32
    %add3A_46 = arith.addi %mul3A_2, %add3A_45 : i32
    %dma_start3A_47 = arith.constant 15664 : i32
    %dma_start3A_48 = tpu.memref_slice %arg9[%dma_start3A_47] : memref<31312xf32, #tpu.memory_space<vmem>> -> memref<15648xf32, #tpu.memory_space<vmem>>
    %dma_start3A_49 = tpu.memref_slice %arg5[%add3A_46] : memref<1000000xf32, #tpu.memory_space<hbm>> -> memref<15648xf32, #tpu.memory_space<hbm>>
    %dma_start3A_50 = tpu.memref_slice %arg5[%add3A_46] : memref<1000000xf32, #tpu.memory_space<hbm>> -> memref<15648xf32, #tpu.memory_space<hbm>>
    %dma_start3A_51 = arith.constant 15664 : i32
    %dma_start3A_52 = tpu.memref_slice %arg9[%dma_start3A_51] : memref<31312xf32, #tpu.memory_space<vmem>> -> memref<15648xf32, #tpu.memory_space<vmem>>
    tpu.enqueue_dma source(%dma_start3A_52 : memref<15648xf32, #tpu.memory_space<vmem>>) target(%dma_start3A_50 : memref<15648xf32, #tpu.memory_space<hbm>>) target_semaphore(%arg13 : memref<!tpu.dma_semaphore, #tpu.memory_space<semaphore_mem>>)
    %dma_wait3A_53 = arith.constant 0 : i32
    %dma_wait3A_54 = tpu.memref_slice %arg9[%dma_wait3A_53] : memref<31312xf32, #tpu.memory_space<vmem>> -> memref<15664xf32, #tpu.memory_space<vmem>>
    %dma_wait3A_55 = tpu.memref_slice %arg5[%add3A_29] : memref<1000000xf32, #tpu.memory_space<hbm>> -> memref<15664xf32, #tpu.memory_space<hbm>>
    %dma_wait3A_56 = tpu.memref_slice %arg5[%add3A_29] : memref<1000000xf32, #tpu.memory_space<hbm>> -> memref<15664xf32, #tpu.memory_space<hbm>>
    %dma_wait3A_57 = arith.constant 0 : i32
    %dma_wait3A_58 = tpu.memref_slice %arg9[%dma_wait3A_57] : memref<31312xf32, #tpu.memory_space<vmem>> -> memref<15664xf32, #tpu.memory_space<vmem>>
    tpu.wait_dma2 semaphore(%arg13 : memref<!tpu.dma_semaphore, #tpu.memory_space<semaphore_mem>>) src(%dma_wait3A_58 : memref<15664xf32, #tpu.memory_space<vmem>>) dst(%dma_wait3A_56 : memref<15664xf32, #tpu.memory_space<hbm>>)
    %dma_wait3A_59 = arith.constant 15664 : i32
    %dma_wait3A_60 = tpu.memref_slice %arg9[%dma_wait3A_59] : memref<31312xf32, #tpu.memory_space<vmem>> -> memref<15648xf32, #tpu.memory_space<vmem>>
    %dma_wait3A_61 = tpu.memref_slice %arg5[%add3A_46] : memref<1000000xf32, #tpu.memory_space<hbm>> -> memref<15648xf32, #tpu.memory_space<hbm>>
    %dma_wait3A_62 = tpu.memref_slice %arg5[%add3A_46] : memref<1000000xf32, #tpu.memory_space<hbm>> -> memref<15648xf32, #tpu.memory_space<hbm>>
    %dma_wait3A_63 = arith.constant 15664 : i32
    %dma_wait3A_64 = tpu.memref_slice %arg9[%dma_wait3A_63] : memref<31312xf32, #tpu.memory_space<vmem>> -> memref<15648xf32, #tpu.memory_space<vmem>>
    tpu.wait_dma2 semaphore(%arg13 : memref<!tpu.dma_semaphore, #tpu.memory_space<semaphore_mem>>) src(%dma_wait3A_64 : memref<15648xf32, #tpu.memory_space<vmem>>) dst(%dma_wait3A_62 : memref<15648xf32, #tpu.memory_space<hbm>>)
    return
  }
}

</mosaic_0001>

<sc_bundles>
// kernel: kernel.3.cloned.1.call-start
scs
__scs_entry_jumppad:
0x0: {  	(pc) =	sbr.rel $0x88, $3  }
0x1: {  	(tag) =	ssettag $0x0;
	lr =	simm.s32 $0x1  }
0x2: {  	[smem:$0x3F9E] =	sst lr;
	_ =	strace $0xD0000000  }
0x3: {  	_ = 	snop  }
0x4: {  	_ = 	snop  }
0x5: {  	_ = 	snop  }
0x6: {  	_ = 	snop  }
0x7: {  	_ = 	snop  }
__scs_overlays_trampoline_lowered:
0x8: {  	[smem:$0x3FAD] =	sst s0  }
0x9: {  	[smem:$0x3FAE] =	sst s1  }
0xa: {  	[smem:$0x3FAF] =	sst s2  }
0xb: {  	[smem:$0x3FB0] =	sst s3  }
0xc: {  	[smem:$0x3FB1] =	sst s4  }
0xd: {  	[smem:$0x3FB2] =	sst s5  }
0xe: {  	[smem:$0x3FB3] =	sst s6  }
0xf: {  	[smem:$0x3FB4] =	sst s7  }
0x10: {  	[smem:$0x3FB5] =	sst s8  }
0x11: {  	[smem:$0x3FB6] =	sst s9;
	s0 =	simm.s32 @!p0 $0x0  }
0x12: {  	s1 =	sld [smem:$0x3F9C];
	s0 =	simm.s32 @p0 $0x1  }
0x13: {  	[smem:$0x3FB7] =	sst s0;
	s0 =	simm.s32 @!p1 $0x0  }
0x14: {  	s2 =	sld [smem:$0x3F9B];
	s0 =	simm.s32 @p1 $0x1  }
0x15: {  	[smem:$0x3FB8] =	sst s0;
	s0 =	simm.s32 @!p2 $0x0  }
0x16: {  	s3 =	sld [smem:$0x3FDB];
	s0 =	simm.s32 @p2 $0x1  }
0x17: {  	s4 =	simm.s32 $0x1BF5;
	[smem:$0x3FBA] =	sst s0  }
0x18: {  	s0 =	sld [smem:$0x3F9D];
	_ =	swait.ge [sflag:s4], $0x0  }
0x19: {  	s7 =	sld [smem:$0x3F9E]  }
0x1a: {  	s8 =	sadd.s32 $0xFFFFE003, lr  }
0x1b: {  	s9 =	sadd.s32 $0xFFFFFEF7, lr;
	s5 =	simm.s32 $0xFFFFFFFF;
	p2 =	slt.u32 s8, $0xFFFFF086  }
0x1c: {  	p1 =	slt.u32 s9, $0xF7A;
	s5 =	simm.s32 @!p2 $0x0  }
0x1d: {  	s5 =	simm.s32 @p1 $0x1;
	p0 =	seq.s32 s7, s2  }
0x1e: {  	s7 =	smul.u32 @!p0 $0xF7A, s2;
	p2 =	seq.s32 @!p0 s5, $0x0  }
0x1f: {  	s9 =	smul.u32 $0xF7A, s1;
	s8 =	simm.s32 @!p0 $0x1BF5;
	p2 =	por !p2, p0  }
0x20: {  	[sflag:s8] =	ssyncset.s32 @!p0 $0xFFFFF086;
	s6 =	sadd.s32 @!p0 s3, s7;
	s7 =	simm.s32 @!p0 $0x108  }
0x21: {  	s3 =	sadd.s32 s3, s9;
	s6 =	sadd.s32 @!p0 $0x88, s6;
	s7 =	simm.s32 @p2 $0x1082  }
0x22: {  	[simem:s7], [sflag:s8] =	dma.local @!p0 [hbm:s6], $0xF7A  }
0x23: {  	s9 =	sor.u32 $0xD0000000, s2;
	s6 =	simm.s32 $0x108;
	_ =	swait.ge @!p0 [sflag:s8], $0x0  }
0x24: {  	s3 =	sadd.s32 $0x88, s3;
	s6 =	simm.s32 @!p1 $0x1082;
	[sflag:s4] =	ssyncset.s32 $0xFFFFF086  }
0x25: {  	[simem:s6], [sflag:s4] =	dma.local [hbm:s3], $0xF7A  }
0x26: {  	[smem:$0x3F9E] =	sst s1;
	(tag) =	ssettag s2;
	_ =	strace s9  }
0x27: {  	s1 =	sld [smem:$0x3FAE]  }
0x28: {  	s2 =	sld [smem:$0x3FAF]  }
0x29: {  	s4 =	sld [smem:$0x3FB1]  }
0x2a: {  	p0 =	seq.s32 s5, $0x0;
	s5 =	sld [smem:$0x3FB2]  }
0x2b: {  	s6 =	sld [smem:$0x3FB3]  }
0x2c: {  	s7 =	sld [smem:$0x3FB4]  }
0x2d: {  	s3 =	simm.s32 $0x108;
	s8 =	sld [smem:$0x3FB5]  }
0x2e: {  	s3 =	simm.s32 @!p0 $0x1082;
	s9 =	sld [smem:$0x3FB6]  }
0x2f: {  	lr =	sadd.s32 s0, s3;
	s0 =	sld [smem:$0x3FAD]  }
0x30: {  	s3 =	sld [smem:$0x3FB0]  }
0x31: {  	[smem:$0x3FB9] =	sst s10  }
0x32: {  	s10 =	sld [smem:$0x3FB7];
	_ =	sdelay $0x3  }
0x33: {  	p0 =	seq.s32 s10, $0x1;
	s10 =	sld [smem:$0x3FB9];
	_ =	sdelay $0x3  }
0x34: {  	[smem:$0x3FB9] =	sst s10  }
0x35: {  	s10 =	sld [smem:$0x3FB8];
	_ =	sdelay $0x3  }
0x36: {  	p1 =	seq.s32 s10, $0x1;
	s10 =	sld [smem:$0x3FB9];
	_ =	sdelay $0x3  }
0x37: {  	[smem:$0x3FB9] =	sst s10  }
0x38: {  	s10 =	sld [smem:$0x3FBA]  }
0x39: {  	_ = 	snop;
	(pc) =	sbr.ind lr, $3  }
0x3a: {  	_ = 	snop  }
0x3b: {  	_ = 	snop  }
0x3c: {  	p2 =	seq.s32 s10, $0x1;
	s10 =	sld [smem:$0x3FB9]  }
0x3d: {  	_ =	shalt  }
0x3e: {  	_ =	shalt  }
0x3f: {  	_ =	shalt  }
0x40: {  	_ =	shalt  }
0x41: {  	_ =	shalt  }
0x42: {  	_ =	shalt  }
0x43: {  	_ =	shalt  }
0x44: {  	_ =	shalt  }
0x45: {  	_ =	shalt  }
0x46: {  	_ =	shalt  }
0x47: {  	_ =	shalt  }
0x48: {  	_ =	shalt  }
0x49: {  	_ =	shalt  }
0x4a: {  	_ =	shalt  }
0x4b: {  	_ =	shalt  }
0x4c: {  	_ =	shalt  }
0x4d: {  	_ =	shalt  }
0x4e: {  	_ =	shalt  }
0x4f: {  	_ =	shalt  }
0x50: {  	_ =	shalt  }
0x51: {  	_ =	shalt  }
0x52: {  	_ =	shalt  }
0x53: {  	_ =	shalt  }
0x54: {  	_ =	shalt  }
0x55: {  	_ =	shalt  }
0x56: {  	_ =	shalt  }
0x57: {  	_ =	shalt  }
0x58: {  	_ =	shalt  }
0x59: {  	_ =	shalt  }
0x5a: {  	_ =	shalt  }
0x5b: {  	_ =	shalt  }
0x5c: {  	_ =	shalt  }
0x5d: {  	_ =	shalt  }
0x5e: {  	_ =	shalt  }
0x5f: {  	_ =	shalt  }
0x60: {  	_ =	shalt  }
0x61: {  	_ =	shalt  }
0x62: {  	_ =	shalt  }
0x63: {  	_ =	shalt  }
0x64: {  	_ =	shalt  }
0x65: {  	_ =	shalt  }
0x66: {  	_ =	shalt  }
0x67: {  	_ =	shalt  }
0x68: {  	_ =	shalt  }
0x69: {  	_ =	shalt  }
0x6a: {  	_ =	shalt  }
0x6b: {  	_ =	shalt  }
0x6c: {  	_ =	shalt  }
0x6d: {  	_ =	shalt  }
0x6e: {  	_ =	shalt  }
0x6f: {  	_ =	shalt  }
0x70: {  	_ =	shalt  }
0x71: {  	_ =	shalt  }
0x72: {  	_ =	shalt  }
0x73: {  	_ =	shalt  }
0x74: {  	_ =	shalt  }
0x75: {  	_ =	shalt  }
0x76: {  	_ =	shalt  }
0x77: {  	_ =	shalt  }
0x78: {  	_ =	shalt  }
0x79: {  	_ =	shalt  }
0x7a: {  	_ =	shalt  }
0x7b: {  	_ =	shalt  }
0x7c: {  	_ =	shalt  }
0x7d: {  	_ =	shalt  }
0x7e: {  	_ =	shalt  }
0x7f: {  	_ =	shalt  }
0x80: {  	_ =	shalt  }
0x81: {  	_ =	shalt  }
0x82: {  	_ =	shalt  }
0x83: {  	_ =	shalt  }
0x84: {  	_ =	shalt  }
0x85: {  	_ =	shalt  }
0x86: {  	_ =	shalt  }
0x87: {  	_ =	shalt  }
.Lfunc_end0:
.L_simem_size_0:
called_computation_lowered:
.L_overlay_start_0:
0x88: {  	s2 =	sld [smem:$0x3FD9]  }
0x89: {  	s3 =	sld [smem:$0x3FFE];
	_ =	sdelay $0x1  }
0x8a: {  	s1 =	srdreg.scid  }
0x8b: {  	s0 =	sand.u32 $0x1, s1  }
0x8c: {  	s17 =	sshll.u32 s0, $0xA;
	s2 =	sadd.s32 s3, s2  }
0x8d: {  	s2 =	sadd.s32 s2, s17  }
0x8e: {  	[smem:$0x3FC5] =	sst s2  }
0x8f: {  	_ = 	snop  }
0x90: {  	s2 =	sld [smem:$0x3FC8]  }
0x91: {  	s18 =	sld [smem:$0x3FC7]  }
0x92: {  	s4 =	sld [smem:$0x3FD0];
	(tm) =	ssettm $0x1  }
0x93: {  	s5 =	sld [smem:$0x3FFB];
	_ =	sdelay $0x3  }
0x94: {  	_ =	strace s5  }
0x95: {  	s5 =	sld [smem:$0x3FFC];
	_ =	sdelay $0x3  }
0x96: {  	_ =	strace s5  }
0x97: {  	s5 =	sld [smem:$0x3FFD];
	_ =	sdelay $0x3  }
0x98: {  	_ =	strace s5  }
0x99: {  	_ =	strace $0x8FFFFFFF  }
0x9a: {  	s19 =	sld [smem:$0x3FDB];
	_ =	sdelay $0x1  }
0x9b: {  	s6 =	simm.s32 $_scs_section_size  }
0x9c: {  	s7 =	simm.s32 $_size__tile_overlayer_lowered;
	s8 =	simm.s32 $_tile_overlayer_lowered  }
0x9d: {  	s22 =	simm.s32 $0x1BFF;
	s21 =	sshll.u32 s8, $0x1;
	s5 =	sadd.s32 s6, s19  }
0x9e: {  	s9 =	simm.s32 $0x0;
	s20 =	sshll.u32 s7, $0x1;
	s7 =	sadd.s32 s21, s5  }
0x9f: {  	[timem:s9], [sflag:s22] =	dma.local [hbm:s7], s20  }
0xa0: {  	_ =	swait.ge [sflag:s22], s20  }
0xa1: {  	s6 =	ssub.s32 $0x0, s20;
	[sflag:s22] =	ssyncset.done $0x0  }
0xa2: {  	[sflag:s22] =	ssyncadd.s32 s6;
	_ =	sdelay $0x1  }
0xa3: {  	s23 =	simm.s32 $0x1B8B  }
0xa4: {  	_ =	swait.ge [sflag:s23], $0x1  }
0xa5: {  	[sflag:s23] =	ssyncset.done $0x0  }
0xa6: {  	s25 =	simm.s32 $0x1B8E;
	s24 =	sld [smem:$0x3FFE];
	[sflag:s23] =	ssyncadd.s32 $0xFFFFFFFF  }
0xa7: {  	s26 =	simm.s32 $execute0_lowered;
	[smem:$0x3FD2] =	sst s25  }
0xa8: {  	s7 =	sshll.u32 s26, $0x1;
	_ =	strace $0x80000046;
	[dreg:$0x1] =	wrdreg $0xFFFFFFFF  }
0xa9: {  	s28 =	simm.s32 $_size_execute0_lowered;
	s5 =	sadd.s32 s5, s7;
	[dreg:$0x0] =	wrdreg $0x0  }
0xaa: {  	s7 =	sshll.u32 s28, $0x1;
	[dreg:$0x2] =	wrdreg s5  }
0xab: {  	[dreg:$0x3] =	wrdreg s7  }
0xac: {  	[dreg:$0x4] =	wrdreg $0xC0  }
0xad: {  	_ =	task [dreg:s9], $0x5FFFF  }
0xae: {  	[dreg:$0x1] =	wrdreg $0xFFFFFFFF  }
0xaf: {  	[dreg:$0x0] =	wrdreg $0x60  }
0xb0: {  	[dreg:$0x2] =	wrdreg s24  }
0xb1: {  	[dreg:$0x3] =	wrdreg s2  }
0xb2: {  	[dreg:$0x4] =	wrdreg s18  }
0xb3: {  	[dreg:$0x5] =	wrdreg s4  }
0xb4: {  	[dreg:$0x6] =	wrdreg $0x157800  }
0xb5: {  	[dreg:$0x7] =	wrdreg $0x9  }
0xb6: {  	_ =	task.clear_ibuf [dreg:s9], $0x8FFFF;
	_ =	strace $0x90000046  }
0xb7: {  	s29 =	simm.s32 $0x9;
	_ =	strace $0x80000048  }
0xb8: {  	_ =	swait.ge [sflag:s29], $0x1  }
0xb9: {  	[sflag:s29] =	ssyncadd.s32 $0xFFFFFFFF  }
0xba: {  	_ =	strace $0x90000048  }
0xbb: {  	_ =	sfence  }
0xbc: {  	s30 =	sld [smem:$0x0];
	_ =	sdelay $0x2  }
0xbd: {  	s31 =	sshll.u32 s1, $0xD;
	s1 =	sshrl.u32 s1, $0x2  }
0xbe: {  	s3 =	sand.u32 $0x4000, s31;
	s1 =	sadd.s32 s1, s30  }
0xbf: {  	s0 =	sor.u32 s3, s0;
	s1 =	sshll.u32 s1, $0x11  }
0xc0: {  	s0 =	sor.u32 s1, s0  }
0xc1: {  	s0 =	sadd.s32 $0x8F2B, s0  }
0xc2: {  	[sflag:s0] =	ssyncadd.remote.s32 $0x1  }
0xc3: {  	_ =	sfence.sel $0xFFFF  }
0xc4: {  	[dreg:$0x0] =	wrdreg $0xFFFFFFFF;
	(pc) =	sbr.abs _section_cstart, $3  }
0xc5: {  	[dreg:$0x1] =	wrdreg $0xFFFFFFFF  }
0xc6: {  	_ =	task.clear_ibuf [dreg:s9], $0x2FFFF;
	_ =	strace $0x9FFFFFFF  }
0xc7: {  	(tm) =	ssettm $0x7FFFFFFF  }
tec
execute0_lowered:
.L_overlay_start_1:
0x0: {  	(tag) =	ssettag $0x1  }
0x1: {  	s4 =	rddreg [dreg:$0x0]  }
0x2: {  	s0 =	rddreg [dreg:$0x1]  }
0x3: {  	s6 =	rddreg [dreg:$0x2];
	s1 =	srdreg.scid  }
0x4: {  	s10 =	stileid.u32;
	s8 =	rddreg [dreg:$0x3]  }
0x5: {  	s2 =	rddreg [dreg:$0x4];
	s3 =	simm.s32 $0x0;
	s13 =	simm.s32 $0x80  }
0x6: {  	s14 =	simm.s32 $0x2;
	s15 =	simm.s32 $0x1;
	s16 =	simm.s32 $0x4  }
0x7: {  	s17 =	simm.s32 $0xDD00;
	s18 =	simm.s32 $0x5;
	s19 =	simm.s32 $0x11A30  }
0x8: {  	s20 =	simm.s32 $0x3;
	s5 =	sand.u32 $0x1, s1;
	s1 =	rddreg [dreg:$0x5]  }
0x9: {  	s21 =	simm.s32 $0x0;
	s31 =	sshll.u32 s10, $0x1;
	[smem:$0x7FF] =	sst s3  }
0xa: {  	s4 =	sadd.s32 $0x400, s4;
	s7 =	sor.u32 s5, s31;
	s5 =	ssub.s32 $0x2, s5  }
0xb: {  	p0 =	sne.s32 s10, $0x0;
	s7 =	smul.u32 $0x7A10, s7;
	s9 =	sshrl.u32 s5, $0x1  }
0xc: {  	s10 =	simm.s32 $0x6280;
	_ =	strace $0x80000047;
	s9 =	ssub.s32 s5, s9  }
0xd: {  	s12 =	sshrl.u32 @!p0 s2, $0x3;
	s7 =	sshrl.u32 s7, $0x3;
	s9 =	smax.u32 s9, $0x1  }
0xe: {  	s11 =	sadd.s32 $0x7A6, s7;
	s5 =	sadd.s32 s6, s7;
	s7 =	sadd.s32 s8, s7  }
0xf: {  	s6 =	sadd.s32 s6, s11;
	s8 =	sadd.s32 s8, s11;
	s11 =	simm.s32 $0x9FB0  }
.LBB2_1:
0x10: {  	[tilespmem:s10], [sflag:$0x4] =	stream.linear.gather [hbm4b:s5+s3], $0x3D30, $0x38;
	[tilespmem:$0x15DA0] =	vst v63  }
0x11: {  	_ = 	snop  }
0x12: {  	[tilespmem:s11], [sflag:$0x5] =	stream.linear.gather [hbm4b:s6+s3], $0x3D20, $0x38;
	[tilespmem:$0x15DA0] =	vst v63  }
0x13: {  	s22 =	simm.s32 @!p0 $0x1C06  }
0x14: {  	[tilespmem:s3], [sflag:$0x2] =	stream.linear.gather [hbm4b:s4+s3], $0x80, $0x38;
	[tilespmem:$0x15DA0] =	vst v63  }
0x15: {  	[spmem:s12], [sflag:s22] =	dma.local @!p0 [hbm:s0], $0xC40  }
0x16: {  	s22 =	simm.s32 @!p0 $0x6  }
0x17: {  	_ =	swait.ge @!p0 [sflag:s22], $0xC40  }
0x18: {  	[sflag:s22] =	ssyncset.done @!p0 $0x0  }
0x19: {  	[sflag:s22] =	ssyncadd.s32 @!p0 $0xFFFFF3C0  }
0x1a: {  	[bflag:$0x0] =	sbarrier.arrive $0xFFFF  }
0x1b: {  	[tilespmem:s13], [sflag:$0x1] =	stream.linear.gather [spmem:s2], $0x6200, $0x38;
	[tilespmem:$0x15DA0] =	vst v63  }
0x1c: {  	_ =	swait.ge [sflag:s14], $0x80  }
0x1d: {  	[sflag:s14] =	ssyncset.done $0x0  }
0x1e: {  	[sflag:s14] =	ssyncadd.s32 $0xFFFFFF80  }
0x1f: {  	v0 =	vld [tilespmem:$0x0];
	_ =	swait.ge [sflag:s15], $0x6200  }
0x20: {  	[sflag:s15] =	ssyncset.done $0x0  }
0x21: {  	[sflag:s15] =	ssyncadd.s32 $0xFFFF9E00  }
0x22: {  	_ =	swait.ge [sflag:s16], $0x3D30  }
0x23: {  	[sflag:s16] =	ssyncset.done $0x0  }
0x24: {  	s31 =	simm.s32 $0x62C0;
	[sflag:s16] =	ssyncadd.s32 $0xFFFFC2D0  }
0x25: {  	v1 =	vld [tilespmem:s31+$0x30]  }
0x26: {  	v2 =	vld [tilespmem:s31+$0xFFFFFFD0]  }
0x27: {  	v3 =	vld [tilespmem:s31+$0xFFFFFFE0]  }
0x28: {  	v4 =	vld [tilespmem:s31+$0xFFFFFFF0]  }
0x29: {  	v7 =	vld [tilespmem:s31+$0x0]  }
0x2a: {  	v8 =	vld [tilespmem:s31+$0x10]  }
0x2b: {  	v9 =	vld [tilespmem:s31+$0x20]  }
0x2c: {  	v10 =	vld [tilespmem:s31+$0xFFFFFFC0]  }
0x2d: {  	v11 =	vld.idx.msk [tilespmem:v1+s13+$0x0], $0xffff  }
0x2e: {  	v12 =	vld.idx.msk [tilespmem:v2+s13+$0x0], $0xffff  }
0x2f: {  	v6 =	vld.idx.msk [tilespmem:v3+s13+$0x0], $0xffff  }
0x30: {  	v5 =	vld.idx.msk [tilespmem:v4+s13+$0x0], $0xffff  }
0x31: {  	v4 =	vld.idx.msk [tilespmem:v7+s13+$0x0], $0xffff  }
0x32: {  	v2 =	vld.idx.msk [tilespmem:v8+s13+$0x0], $0xffff  }
0x33: {  	s23 =	simm.s32 $0xDD40;
	v1 =	vld.idx.msk [tilespmem:v9+s13+$0x0], $0xffff;
	v8 =	vmul.f32 v11, v0  }
0x34: {  	s26 =	simm.s32 $0x0;
	s28 =	simm.s32 $0x6340;
	s22 =	simm.s32 $0x9F80;
	v3 =	vld.idx.msk [tilespmem:v10+s13+$0x0], $0xffff;
	v7 =	vmul.f32 v12, v0  }
.LBB2_2:
0x35: {  	v9 =	vld [tilespmem:s28+$0x30];
	s26 =	sadd.s32 $0x80, s26;
	v6 =	vmul.f32 v6, v0;
	[tilespmem:s23+$0x30] =	vst v8;
	s24 =	simm.s32 $0x3CF0;
	s25 =	simm.s32 $0x11A00  }
0x36: {  	v5 =	vmul.f32 v5, v0;
	v8 =	vld [tilespmem:s28+$0xFFFFFFD0];
	p1 =	slt.u32 s26, $0x3C80;
	[tilespmem:s23+$0xFFFFFFD0] =	vst v7  }
0x37: {  	v4 =	vmul.f32 v4, v0;
	v7 =	vld [tilespmem:s28+$0xFFFFFFE0];
	[tilespmem:s23+$0xFFFFFFE0] =	vst v6  }
0x38: {  	v2 =	vmul.f32 v2, v0;
	v10 =	vld [tilespmem:s28+$0xFFFFFFF0];
	[tilespmem:s23+$0xFFFFFFF0] =	vst v5  }
0x39: {  	v1 =	vmul.f32 v1, v0;
	v11 =	vld [tilespmem:s28+$0x0];
	[tilespmem:s23+$0x0] =	vst v4  }
0x3a: {  	v3 =	vmul.f32 v3, v0;
	v12 =	vld [tilespmem:s28+$0x10];
	[tilespmem:s23+$0x10] =	vst v2  }
0x3b: {  	v13 =	vld [tilespmem:s28+$0x20];
	[tilespmem:s23+$0x20] =	vst v1  }
0x3c: {  	v14 =	vld [tilespmem:s28+$0xFFFFFFC0];
	[tilespmem:s23+$0xFFFFFFC0] =	vst v3  }
0x3d: {  	v3 =	vld.idx.msk [tilespmem:v9+s13+$0x0], $0xffff  }
0x3e: {  	v9 =	vld.idx.msk [tilespmem:v8+s13+$0x0], $0xffff  }
0x3f: {  	v6 =	vld.idx.msk [tilespmem:v7+s13+$0x0], $0xffff  }
.Ltmp0:
0x40: {  	v5 =	vld.idx.msk [tilespmem:v10+s13+$0x0], $0xffff;
	(pc) =	sbr.rel @p1 .LBB2_2-.Ltmp0, $4  }
0x41: {  	v4 =	vld.idx.msk [tilespmem:v11+s13+$0x0], $0xffff  }
0x42: {  	v2 =	vld.idx.msk [tilespmem:v12+s13+$0x0], $0xffff  }
0x43: {  	v8 =	vmul.f32 v3, v0;
	v1 =	vld.idx.msk [tilespmem:v13+s13+$0x0], $0xffff  }
0x44: {  	s28 =	sadd.s32 $0x80, s28;
	s23 =	sadd.s32 $0x80, s23;
	v7 =	vmul.f32 v9, v0;
	v3 =	vld.idx.msk [tilespmem:v14+s13+$0x0], $0xffff  }
0x45: {  	v6 =	vmul.f32 v6, v0;
	[tilespmem:s23+$0x30] =	vst v8  }
0x46: {  	v5 =	vmul.f32 v5, v0;
	[tilespmem:s23+$0xFFFFFFD0] =	vst v7  }
0x47: {  	v4 =	vmul.f32 v4, v0;
	[tilespmem:s23+$0xFFFFFFE0] =	vst v6  }
0x48: {  	[tilespmem:s23+$0xFFFFFFF0] =	vst v5;
	v2 =	vmul.f32 v2, v0  }
0x49: {  	[tilespmem:s23+$0x0] =	vst v4;
	v1 =	vmul.f32 v1, v0  }
0x4a: {  	v3 =	vmul.f32 v3, v0;
	[tilespmem:s23+$0x10] =	vst v2  }
0x4b: {  	[tilespmem:s23+$0x20] =	vst v1  }
0x4c: {  	[tilespmem:s23+$0xFFFFFFC0] =	vst v3  }
.LBB2_4:
0x4d: {  	v1 =	vld [tilespmem:s22+$0x0];
	_ =	sdelay $0x7  }
0x4e: {  	v1 =	vld.idx.msk [tilespmem:v1+s13+$0x0], $0xffff  }
0x4f: {  	s24 =	sadd.s32 $0x10, s24  }
0x50: {  	p1 =	slt.u32 s24, $0x3D20  }
.Ltmp1:
0x51: {  	_ = 	snop;
	(pc) =	sbr.rel @p1 .LBB2_4-.Ltmp1, $3  }
0x52: {  	_ = 	snop  }
0x53: {  	v1 =	vmul.f32 v1, v0;
	_ =	sdelay $0x1  }
0x54: {  	s22 =	sadd.s32 $0x10, s22;
	[tilespmem:s25+$0x0] =	vst v1;
	s25 =	sadd.s32 $0x10, s25  }
0x55: {  	[hbm4b:s7+s3] =	stream.linear.scatter [tilespmem:s17], [sflag:$0x3], $0x3D30, $0x38;
	[tilespmem:$0x15DA0] =	vst v63  }
0x56: {  	_ =	swait.ge [sflag:s18], $0x3D20  }
0x57: {  	[sflag:s18] =	ssyncset.done $0x0  }
0x58: {  	s22 =	simm.s32 $0xA020;
	[sflag:s18] =	ssyncadd.s32 $0xFFFFC2E0  }
0x59: {  	v1 =	vld [tilespmem:s22+$0x0]  }
0x5a: {  	v2 =	vld [tilespmem:s22+$0xFFFFFFA0]  }
0x5b: {  	v3 =	vld [tilespmem:s22+$0xFFFFFFB0]  }
0x5c: {  	v4 =	vld [tilespmem:s22+$0xFFFFFFC0]  }
0x5d: {  	v7 =	vld [tilespmem:s22+$0xFFFFFFD0]  }
0x5e: {  	v8 =	vld [tilespmem:s22+$0xFFFFFFE0]  }
0x5f: {  	v9 =	vld [tilespmem:s22+$0xFFFFFFF0]  }
0x60: {  	v10 =	vld [tilespmem:s22+$0xFFFFFF90]  }
0x61: {  	v11 =	vld.idx.msk [tilespmem:v1+s13+$0x0], $0xffff  }
0x62: {  	v12 =	vld.idx.msk [tilespmem:v2+s13+$0x0], $0xffff  }
0x63: {  	v6 =	vld.idx.msk [tilespmem:v3+s13+$0x0], $0xffff  }
0x64: {  	v5 =	vld.idx.msk [tilespmem:v4+s13+$0x0], $0xffff  }
0x65: {  	v4 =	vld.idx.msk [tilespmem:v7+s13+$0x0], $0xffff  }
0x66: {  	v2 =	vld.idx.msk [tilespmem:v8+s13+$0x0], $0xffff  }
0x67: {  	s23 =	simm.s32 $0x11AA0;
	v1 =	vld.idx.msk [tilespmem:v9+s13+$0x0], $0xffff;
	v8 =	vmul.f32 v11, v0  }
0x68: {  	s26 =	simm.s32 $0x3D30;
	s28 =	simm.s32 $0xA0A0;
	s22 =	simm.s32 $0xDCB0;
	v3 =	vld.idx.msk [tilespmem:v10+s13+$0x0], $0xffff;
	v7 =	vmul.f32 v12, v0  }
.LBB2_6:
0x69: {  	v9 =	vld [tilespmem:s28+$0x0];
	s26 =	sadd.s32 $0x80, s26;
	v6 =	vmul.f32 v6, v0;
	[tilespmem:s23+$0x0] =	vst v8;
	s24 =	simm.s32 $0x7A20;
	s25 =	simm.s32 $0x15730  }
0x6a: {  	v5 =	vmul.f32 v5, v0;
	v8 =	vld [tilespmem:s28+$0xFFFFFFA0];
	p1 =	slt.u32 s26, $0x79B0;
	[tilespmem:s23+$0xFFFFFFA0] =	vst v7  }
0x6b: {  	v4 =	vmul.f32 v4, v0;
	v7 =	vld [tilespmem:s28+$0xFFFFFFB0];
	[tilespmem:s23+$0xFFFFFFB0] =	vst v6  }
0x6c: {  	v2 =	vmul.f32 v2, v0;
	v10 =	vld [tilespmem:s28+$0xFFFFFFC0];
	[tilespmem:s23+$0xFFFFFFC0] =	vst v5  }
0x6d: {  	v1 =	vmul.f32 v1, v0;
	v11 =	vld [tilespmem:s28+$0xFFFFFFD0];
	[tilespmem:s23+$0xFFFFFFD0] =	vst v4  }
0x6e: {  	v3 =	vmul.f32 v3, v0;
	v12 =	vld [tilespmem:s28+$0xFFFFFFE0];
	[tilespmem:s23+$0xFFFFFFE0] =	vst v2  }
0x6f: {  	v13 =	vld [tilespmem:s28+$0xFFFFFFF0];
	[tilespmem:s23+$0xFFFFFFF0] =	vst v1  }
0x70: {  	v14 =	vld [tilespmem:s28+$0xFFFFFF90];
	[tilespmem:s23+$0xFFFFFF90] =	vst v3  }
0x71: {  	v3 =	vld.idx.msk [tilespmem:v9+s13+$0x0], $0xffff  }
0x72: {  	v9 =	vld.idx.msk [tilespmem:v8+s13+$0x0], $0xffff  }
0x73: {  	v6 =	vld.idx.msk [tilespmem:v7+s13+$0x0], $0xffff  }
.Ltmp2:
0x74: {  	v5 =	vld.idx.msk [tilespmem:v10+s13+$0x0], $0xffff;
	(pc) =	sbr.rel @p1 .LBB2_6-.Ltmp2, $4  }
0x75: {  	v4 =	vld.idx.msk [tilespmem:v11+s13+$0x0], $0xffff  }
0x76: {  	v2 =	vld.idx.msk [tilespmem:v12+s13+$0x0], $0xffff  }
0x77: {  	v8 =	vmul.f32 v3, v0;
	v1 =	vld.idx.msk [tilespmem:v13+s13+$0x0], $0xffff  }
0x78: {  	s28 =	sadd.s32 $0x80, s28;
	s23 =	sadd.s32 $0x80, s23;
	v7 =	vmul.f32 v9, v0;
	v3 =	vld.idx.msk [tilespmem:v14+s13+$0x0], $0xffff  }
0x79: {  	v6 =	vmul.f32 v6, v0;
	[tilespmem:s23+$0x0] =	vst v8  }
0x7a: {  	v5 =	vmul.f32 v5, v0;
	[tilespmem:s23+$0xFFFFFFA0] =	vst v7  }
0x7b: {  	v4 =	vmul.f32 v4, v0;
	[tilespmem:s23+$0xFFFFFFB0] =	vst v6  }
0x7c: {  	[tilespmem:s23+$0xFFFFFFC0] =	vst v5;
	v2 =	vmul.f32 v2, v0  }
0x7d: {  	[tilespmem:s23+$0xFFFFFFD0] =	vst v4;
	v1 =	vmul.f32 v1, v0  }
0x7e: {  	v3 =	vmul.f32 v3, v0;
	[tilespmem:s23+$0xFFFFFFE0] =	vst v2  }
0x7f: {  	[tilespmem:s23+$0xFFFFFFF0] =	vst v1  }
0x80: {  	[tilespmem:s23+$0xFFFFFF90] =	vst v3  }
.LBB2_8:
0x81: {  	v1 =	vld [tilespmem:s22+$0x0];
	_ =	sdelay $0x7  }
0x82: {  	v1 =	vld.idx.msk [tilespmem:v1+s13+$0x0], $0xffff  }
0x83: {  	s24 =	sadd.s32 $0x10, s24  }
0x84: {  	p1 =	slt.u32 s24, $0x7A40  }
.Ltmp3:
0x85: {  	_ = 	snop;
	(pc) =	sbr.rel @p1 .LBB2_8-.Ltmp3, $3  }
0x86: {  	_ = 	snop  }
0x87: {  	v1 =	vmul.f32 v1, v0;
	_ =	sdelay $0x1  }
0x88: {  	s22 =	sadd.s32 $0x10, s22;
	[tilespmem:s25+$0x0] =	vst v1;
	s25 =	sadd.s32 $0x10, s25  }
0x89: {  	[hbm4b:s8+s3] =	stream.linear.scatter [tilespmem:s19], [sflag:$0x3], $0x3D20, $0x38;
	[tilespmem:$0x15DA0] =	vst v63  }
0x8a: {  	s21 =	sadd.s32 $0x1, s21  }
0x8b: {  	_ =	swait.ge [sflag:s20], $0x3D30;
	p1 =	sne.s32 s21, s9  }
.Ltmp4:
0x8c: {  	[sflag:s20] =	ssyncset.done $0x0;
	(pc) =	sbr.rel @p1 .LBB2_1-.Ltmp4, $4  }
0x8d: {  	[sflag:s20] =	ssyncadd.s32 $0xFFFFC2D0  }
0x8e: {  	_ =	swait.ge [sflag:s20], $0x3D20  }
0x8f: {  	[sflag:s20] =	ssyncset.done $0x0  }
0x90: {  	[sflag:s20] =	ssyncadd.s32 $0xFFFFC2E0  }
0x91: {  	_ =	sfence.sel $0x180000  }
0x92: {  	[bflag:$0x0] =	sbarrier.arrive $0xFFFF  }
0x93: {  	_ =	strace $0x90000047  }
0x94: {  	s0 =	sadd.s32 @!p0 $0x100000, s1;
	[bflag:$0x2] =	sbarrier.arrive $0xFFFF  }
0x95: {  	[sflag:s0] =	ssyncadd.tile.s32 @!p0 $0x1;
	_ =	shalt  }
.Lfunc_end2:
_tile_overlayer_lowered:
.L_overlay_start_2:
0x96: {  	(tag) =	ssettag $0x2  }
0x97: {  	s0 =	rddreg [dreg:$0x0];
	s2 =	stileid.u32  }
0x98: {  	s1 =	rddreg [dreg:$0x1];
	p0 =	sne.s32 s2, $0x0  }
0x99: {  	s3 =	rddreg [dreg:$0x2];
	[bflag:$0x3] =	sbarrier.arrive $0xFFFF;
	s2 =	simm.s32 @!p0 $0x1C06  }
0x9a: {  	[timem:s3], [sflag:s2] =	dma.local @!p0 [hbm:s0], s1  }
0x9b: {  	s0 =	simm.s32 @!p0 $0x6  }
0x9c: {  	_ =	swait.ge @!p0 [sflag:s0], s1  }
0x9d: {  	s1 =	ssub.s32 @!p0 $0x0, s1;
	[sflag:s0] =	ssyncset.done @!p0 $0x0  }
0x9e: {  	[sflag:s0] =	ssyncadd.s32 @!p0 s1  }
0x9f: {  	[bflag:$0x3] =	sbarrier.arrive $0xFFFF  }
0xa0: {  	_ =	shalt  }

</sc_bundles>
